<compile_context>
chip_gen: v7x
topology: tpu7x:2x2x1
jax: 0.10.2.dev20260603
libtpu: 0.0.44.dev20260713+nightly
codegen_flags: <defaults>
</compile_context>

<pallas_src>
import functools

import jax
import jax.numpy as jnp
from jax import lax
from jax.experimental import pallas as pl
from jax.experimental.pallas import tpu as pltpu
from jax.experimental.pallas import tpu_sc as plsc

_B, _S, _D = 4096, 200, 64
_V = 1000000
_SCALE = float(_D) ** 0.5
_NC, _NS, _L = 2, 16, 16
_NW = _NC * _NS
_ROWS = _B * _S
_RPW = _ROWS // _NW
_C = 256
_NCHUNK = _RPW // _C
_BV = 16384


def _prep_body(wt_ref, o_ref):
    t = wt_ref[...].T * _SCALE
    o_ref[...] = jnp.concatenate([t, t], axis=1)


def _prep_table(weight_t):
    return pl.pallas_call(
        _prep_body,
        grid=(pl.cdiv(_V, _BV),),
        in_specs=[pl.BlockSpec((_D, _BV), lambda i: (0, i))],
        out_specs=pl.BlockSpec((_BV, 2 * _D), lambda i: (i, 0)),
        out_shape=jax.ShapeDtypeStruct((_V, 2 * _D), jnp.float32),
    )(weight_t)


def _emb_body(ids_hbm, table_hbm, out_hbm,
              idx_a, idx_b, rows_a, rows_b, out_a,
              isem_a, isem_b, sem_a, sem_b, wsem_a):
    wid = lax.axis_index("s") * _NC + lax.axis_index("c")
    base = wid * _RPW

    def stage_idx(g, idx_v, isem):
        pltpu.async_copy(ids_hbm.at[pl.ds(base + g * _C, _C)], idx_v, isem)

    def wait_idx(g, idx_v, isem):
        pltpu.make_async_copy(ids_hbm.at[pl.ds(base + g * _C, _C)],
                              idx_v, isem).wait()

    def gather(g, idx_v, rows_v, sem):
        pltpu.async_copy(table_hbm.at[idx_v], rows_v, sem)

    def wait_gather(idx_v, rows_v, sem):
        pltpu.make_async_copy(table_hbm.at[idx_v], rows_v, sem).wait()

    def drain(g, rows_v, out_v, wsem):
        off = base + g * _C

        @pl.when(g > 0)
        def _():
            pltpu.make_async_copy(
                out_v, out_hbm.at[pl.ds(off, _C)], wsem).wait()

        def extract_row(r2, c2):
            r = r2 * 2
            for rr in range(2):
                for j in range(_D // _L):
                    sl = pl.ds(j * _L, _L)
                    out_v[r + rr, sl] = rows_v[r + rr, sl]
            return c2

        lax.fori_loop(0, _C // 2, extract_row, 0)
        pltpu.async_copy(out_v, out_hbm.at[pl.ds(off, _C)], wsem)

    stage_idx(0, idx_a, isem_a)
    stage_idx(1, idx_b, isem_b)
    wait_idx(0, idx_a, isem_a)
    gather(0, idx_a, rows_a, sem_a)

    def pair(k, carry):
        g0 = 2 * k
        wait_idx(g0 + 1, idx_b, isem_b)
        gather(g0 + 1, idx_b, rows_b, sem_b)
        wait_gather(idx_a, rows_a, sem_a)

        @pl.when(k + 1 < _NCHUNK // 2)
        def _():
            stage_idx(g0 + 2, idx_a, isem_a)

        drain(g0, rows_a, out_a, wsem_a)

        @pl.when(k + 1 < _NCHUNK // 2)
        def _():
            wait_idx(g0 + 2, idx_a, isem_a)
            gather(g0 + 2, idx_a, rows_a, sem_a)

        wait_gather(idx_b, rows_b, sem_b)

        @pl.when(k + 1 < _NCHUNK // 2)
        def _():
            stage_idx(g0 + 3, idx_b, isem_b)

        drain(g0 + 1, rows_b, out_a, wsem_a)
        return carry

    lax.fori_loop(0, _NCHUNK // 2, pair, 0)
    pltpu.make_async_copy(
        out_a, out_hbm.at[pl.ds(base + (_NCHUNK - 1) * _C, _C)],
        wsem_a).wait()


def kernel(input_ids, weight):
    ids = input_ids.reshape(_ROWS)
    table = _prep_table(weight.T)
    mesh = plsc.VectorSubcoreMesh(core_axis_name="c", subcore_axis_name="s")
    run = functools.partial(
        pl.kernel,
        mesh=mesh,
        compiler_params=pltpu.CompilerParams(
            use_tc_tiling_on_sc=True, needs_layout_passes=False),
        out_type=jax.ShapeDtypeStruct((_ROWS, _D), jnp.float32),
        scratch_types=[
            pltpu.VMEM((_C,), jnp.int32),
            pltpu.VMEM((_C,), jnp.int32),
            pltpu.VMEM((_C, 2 * _D), jnp.float32),
            pltpu.VMEM((_C, 2 * _D), jnp.float32),
            pltpu.VMEM((_C, _D), jnp.float32),
            pltpu.SemaphoreType.DMA,
            pltpu.SemaphoreType.DMA,
            pltpu.SemaphoreType.DMA,
            pltpu.SemaphoreType.DMA,
            pltpu.SemaphoreType.DMA,
        ],
    )(_emb_body)
    out = run(ids, table)
    return out.reshape(_B, _S, _D)

# --- scband reference (transcript-rebuilt; emitter-appended) ---
"""Pipeline reference for scband-embedding-9534827397156 (READ-ONLY COPY).

The authoritative reference and input builder live on the scoring server;
editing this copy changes nothing except your own understanding.
"""

import jax, jax.numpy as jnp
import numpy as np

VOCAB = 1000000
EMBED_DIM = 64
BATCH = 4096
SEQ_LEN = 200
SCALE = EMBED_DIM ** 0.5


def setup_inputs(seed: int = 0) -> dict:
    key = jax.random.key(seed)
    k_idx, k_w = jax.random.split(key)
    input_ids = jax.random.randint(k_idx, (BATCH, SEQ_LEN), 0, VOCAB, dtype=jnp.int64 if jax.config.read('jax_enable_x64') else jnp.int32)
    weight = jax.random.normal(k_w, (VOCAB, EMBED_DIM), dtype=jnp.float32) * 0.02
    return {"input_ids": input_ids, "weight": weight}


def reference(input_ids, weight):
    # ttnn.embedding -> gather rows of the embedding table
    embeddings = jnp.take(weight, input_ids, axis=0)  # [B, S, D]
    # scale_embeddings=True -> multiply by sqrt(embedding_dim)
    embeddings = embeddings * SCALE
    return embeddings

if __name__ == "__main__":
    import jax
    _d = setup_inputs()
    print(jax.jit(kernel)(*tuple(_d.values())))

</pallas_src>

<mosaic_0001>
#map = affine_map<(d0, d1) -> (0)>
#map1 = affine_map<(d0, d1) -> (0, 0)>
module attributes {stable_mosaic.version = 14 : i64} {
  func.func @_emb_body(%arg0: i32, %arg1: i32, %arg2: memref<819200xi32, #tpu.memory_space<hbm>>, %arg3: memref<1000000x128xf32, #tpu.memory_space<hbm>>, %arg4: memref<819200x64xf32, #tpu.memory_space<hbm>>, %arg5: memref<256xi32, #tpu.memory_space<vmem>>, %arg6: memref<256xi32, #tpu.memory_space<vmem>>, %arg7: memref<256x128xf32, #tpu.memory_space<vmem>>, %arg8: memref<256x128xf32, #tpu.memory_space<vmem>>, %arg9: memref<256x64xf32, #tpu.memory_space<vmem>>, %arg10: memref<!tpu.dma_semaphore, #tpu.memory_space<semaphore_mem>>, %arg11: memref<!tpu.dma_semaphore, #tpu.memory_space<semaphore_mem>>, %arg12: memref<!tpu.dma_semaphore, #tpu.memory_space<semaphore_mem>>, %arg13: memref<!tpu.dma_semaphore, #tpu.memory_space<semaphore_mem>>, %arg14: memref<!tpu.dma_semaphore, #tpu.memory_space<semaphore_mem>>) attributes {dimension_semantics = [#tpu.dimension_semantics<core_parallel>, #tpu.dimension_semantics<subcore_parallel>], iteration_bounds = array<i64: 2, 16>, scalar_prefetch = 0 : i64, scratch_operands = 10 : i64, tpu.core_type = #tpu.core_type<sc_vector_subcore>, window_params = [{transform_indices = #map}, {transform_indices = #map1}, {transform_indices = #map1}]} {
    %mul3A = arith.constant 2 : i32
    %mul3A_0 = arith.muli %arg1, %mul3A : i32
    %add3A = arith.addi %mul3A_0, %arg0 : i32
    %mul3A_1 = arith.constant 25600 : i32
    %mul3A_2 = arith.muli %add3A, %mul3A_1 : i32
    %add3A_3 = arith.constant 0 : i32
    %add3A_4 = arith.addi %mul3A_2, %add3A_3 : i32
    %dma_start3A = tpu.memref_slice %arg2[%add3A_4] : memref<819200xi32, #tpu.memory_space<hbm>> -> memref<256xi32, #tpu.memory_space<hbm>>
    %dma_start3A_5 = tpu.memref_slice %arg2[%add3A_4] : memref<819200xi32, #tpu.memory_space<hbm>> -> memref<256xi32, #tpu.memory_space<hbm>>
    tpu.enqueue_dma source(%dma_start3A_5 : memref<256xi32, #tpu.memory_space<hbm>>) target(%arg5 : memref<256xi32, #tpu.memory_space<vmem>>) target_semaphore(%arg10 : memref<!tpu.dma_semaphore, #tpu.memory_space<semaphore_mem>>)
    %add3A_6 = arith.constant 256 : i32
    %add3A_7 = arith.addi %mul3A_2, %add3A_6 : i32
    %dma_start3A_8 = tpu.memref_slice %arg2[%add3A_7] : memref<819200xi32, #tpu.memory_space<hbm>> -> memref<256xi32, #tpu.memory_space<hbm>>
    %dma_start3A_9 = tpu.memref_slice %arg2[%add3A_7] : memref<819200xi32, #tpu.memory_space<hbm>> -> memref<256xi32, #tpu.memory_space<hbm>>
    tpu.enqueue_dma source(%dma_start3A_9 : memref<256xi32, #tpu.memory_space<hbm>>) target(%arg6 : memref<256xi32, #tpu.memory_space<vmem>>) target_semaphore(%arg11 : memref<!tpu.dma_semaphore, #tpu.memory_space<semaphore_mem>>)
    %add3A_10 = arith.constant 0 : i32
    %add3A_11 = arith.addi %mul3A_2, %add3A_10 : i32
    %dma_wait3A = tpu.memref_slice %arg2[%add3A_11] : memref<819200xi32, #tpu.memory_space<hbm>> -> memref<256xi32, #tpu.memory_space<hbm>>
    %dma_wait3A_12 = tpu.memref_slice %arg2[%add3A_11] : memref<819200xi32, #tpu.memory_space<hbm>> -> memref<256xi32, #tpu.memory_space<hbm>>
    tpu.wait_dma2 semaphore(%arg10 : memref<!tpu.dma_semaphore, #tpu.memory_space<semaphore_mem>>) src(%dma_wait3A_12 : memref<256xi32, #tpu.memory_space<hbm>>) dst(%arg5 : memref<256xi32, #tpu.memory_space<vmem>>)
    %dma_start3A_13 = arith.constant 0 : i32
    %dma_start3A_14 = arith.constant 0 : i32
    %dma_start3A_15 = tpu.memref_slice %arg3[%dma_start3A_13, %dma_start3A_14] : memref<1000000x128xf32, #tpu.memory_space<hbm>> -> memref<1000000x128xf32, #tpu.memory_space<hbm>>
    tpu.enqueue_indirect_dma source(%dma_start3A_15 : memref<1000000x128xf32, #tpu.memory_space<hbm>>) target(%arg7 : memref<256x128xf32, #tpu.memory_space<vmem>>) offsets(%arg5 : memref<256xi32, #tpu.memory_space<vmem>>) semaphore(%arg12 : memref<!tpu.dma_semaphore, #tpu.memory_space<semaphore_mem>>)
    %scan3A = arith.constant 0 : i32
    %scan3A_16 = arith.constant 0 : i32
    %scan3A_17 = arith.constant 50 : i32
    %scan3A_18 = arith.addi %scan3A_16, %scan3A_17 : i32
    %scan3A_19 = arith.constant 1 : i32
    scf.for %scan3A_27 = %scan3A_16 to %scan3A_18 step %scan3A_19  : i32 {
      %mul3A_28 = arith.constant 2 : i32
      %mul3A_29 = arith.muli %mul3A_28, %scan3A_27 : i32
      %add3A_30 = arith.constant 1 : i32
      %add3A_31 = arith.addi %mul3A_29, %add3A_30 : i32
      %mul3A_32 = arith.constant 256 : i32
      %mul3A_33 = arith.muli %add3A_31, %mul3A_32 : i32
      %add3A_34 = arith.addi %mul3A_2, %mul3A_33 : i32
      %dma_wait3A_35 = tpu.memref_slice %arg2[%add3A_34] : memref<819200xi32, #tpu.memory_space<hbm>> -> memref<256xi32, #tpu.memory_space<hbm>>
      %dma_wait3A_36 = tpu.memref_slice %arg2[%add3A_34] : memref<819200xi32, #tpu.memory_space<hbm>> -> memref<256xi32, #tpu.memory_space<hbm>>
      tpu.wait_dma2 semaphore(%arg11 : memref<!tpu.dma_semaphore, #tpu.memory_space<semaphore_mem>>) src(%dma_wait3A_36 : memref<256xi32, #tpu.memory_space<hbm>>) dst(%arg6 : memref<256xi32, #tpu.memory_space<vmem>>)
      %add3A_37 = arith.constant 1 : i32
      %add3A_38 = arith.addi %mul3A_29, %add3A_37 : i32
      %dma_start3A_39 = arith.constant 0 : i32
      %dma_start3A_40 = arith.constant 0 : i32
      %dma_start3A_41 = tpu.memref_slice %arg3[%dma_start3A_39, %dma_start3A_40] : memref<1000000x128xf32, #tpu.memory_space<hbm>> -> memref<1000000x128xf32, #tpu.memory_space<hbm>>
      tpu.enqueue_indirect_dma source(%dma_start3A_41 : memref<1000000x128xf32, #tpu.memory_space<hbm>>) target(%arg8 : memref<256x128xf32, #tpu.memory_space<vmem>>) offsets(%arg6 : memref<256xi32, #tpu.memory_space<vmem>>) semaphore(%arg13 : memref<!tpu.dma_semaphore, #tpu.memory_space<semaphore_mem>>)
      %dma_wait3A_42 = arith.constant 0 : i32
      %dma_wait3A_43 = arith.constant 0 : i32
      %dma_wait3A_44 = tpu.memref_slice %arg3[%dma_wait3A_42, %dma_wait3A_43] : memref<1000000x128xf32, #tpu.memory_space<hbm>> -> memref<1000000x128xf32, #tpu.memory_space<hbm>>
      tpu.wait_indirect_dma semaphore(%arg12 : memref<!tpu.dma_semaphore, #tpu.memory_space<semaphore_mem>>) src(%dma_wait3A_44 : memref<1000000x128xf32, #tpu.memory_space<hbm>>) dst(%arg7 : memref<256x128xf32, #tpu.memory_space<vmem>>)
      %add3A_45 = arith.constant 1 : i32
      %add3A_46 = arith.addi %scan3A_27, %add3A_45 : i32
      %lt3A = arith.constant 50 : i32
      %lt3A_47 = arith.cmpi slt, %add3A_46, %lt3A : i32
      %convert_element_type3A = arith.extui %lt3A_47 : i1 to i32
      %cond3A = arith.constant 0 : i32
      %cond3A_48 = arith.cmpi ne, %convert_element_type3A, %cond3A : i32
      scf.if %cond3A_48 {
        %add3A_103 = arith.constant 2 : i32
        %add3A_104 = arith.addi %mul3A_29, %add3A_103 : i32
        %mul3A_105 = arith.constant 256 : i32
        %mul3A_106 = arith.muli %add3A_104, %mul3A_105 : i32
        %add3A_107 = arith.addi %mul3A_2, %mul3A_106 : i32
        %dma_start3A_108 = tpu.memref_slice %arg2[%add3A_107] : memref<819200xi32, #tpu.memory_space<hbm>> -> memref<256xi32, #tpu.memory_space<hbm>>
        %dma_start3A_109 = tpu.memref_slice %arg2[%add3A_107] : memref<819200xi32, #tpu.memory_space<hbm>> -> memref<256xi32, #tpu.memory_space<hbm>>
        tpu.enqueue_dma source(%dma_start3A_109 : memref<256xi32, #tpu.memory_space<hbm>>) target(%arg5 : memref<256xi32, #tpu.memory_space<vmem>>) target_semaphore(%arg10 : memref<!tpu.dma_semaphore, #tpu.memory_space<semaphore_mem>>)
      } else {
      }
      %mul3A_49 = arith.constant 256 : i32
      %mul3A_50 = arith.muli %mul3A_29, %mul3A_49 : i32
      %add3A_51 = arith.addi %mul3A_2, %mul3A_50 : i32
      %gt3A = arith.constant 0 : i32
      %gt3A_52 = arith.cmpi sgt, %mul3A_29, %gt3A : i32
      %convert_element_type3A_53 = arith.extui %gt3A_52 : i1 to i32
      %cond3A_54 = arith.constant 0 : i32
      %cond3A_55 = arith.cmpi ne, %convert_element_type3A_53, %cond3A_54 : i32
      scf.if %cond3A_55 {
        %dma_wait3A_103 = arith.constant 0 : i32
        %dma_wait3A_104 = tpu.memref_slice %arg4[%add3A_51, %dma_wait3A_103] : memref<819200x64xf32, #tpu.memory_space<hbm>> -> memref<256x64xf32, #tpu.memory_space<hbm>>
        %dma_wait3A_105 = arith.constant 0 : i32
        %dma_wait3A_106 = tpu.memref_slice %arg4[%add3A_51, %dma_wait3A_105] : memref<819200x64xf32, #tpu.memory_space<hbm>> -> memref<256x64xf32, #tpu.memory_space<hbm>>
        tpu.wait_dma2 semaphore(%arg14 : memref<!tpu.dma_semaphore, #tpu.memory_space<semaphore_mem>>) src(%arg9 : memref<256x64xf32, #tpu.memory_space<vmem>>) dst(%dma_wait3A_106 : memref<256x64xf32, #tpu.memory_space<hbm>>)
      } else {
      }
      %scan3A_56 = arith.constant 0 : i32
      %scan3A_57 = arith.constant 0 : i32
      %scan3A_58 = arith.constant 128 : i32
      %scan3A_59 = arith.addi %scan3A_57, %scan3A_58 : i32
      %scan3A_60 = arith.constant 1 : i32
      scf.for %scan3A_103 = %scan3A_57 to %scan3A_59 step %scan3A_60  : i32 {
        %mul3A_104 = arith.constant 2 : i32
        %mul3A_105 = arith.muli %scan3A_103, %mul3A_104 : i32
        %add3A_106 = arith.constant 0 : i32
        %add3A_107 = arith.addi %mul3A_105, %add3A_106 : i32
        %get3A = arith.index_cast %add3A_107 : i32 to index
        %get3A_108 = arith.constant 0 : index
        %get3A_109 = tpu.vector_load %arg7[%get3A, %get3A_108] {strides = array<i32>} : memref<256x128xf32, #tpu.memory_space<vmem>>, vector<16xf32>,
        %add3A_110 = arith.constant 0 : i32
        %add3A_111 = arith.addi %mul3A_105, %add3A_110 : i32
        %swap3A = arith.index_cast %add3A_111 : i32 to index
        %swap3A_112 = arith.constant 0 : index
        %swap3A_113 = tpu.vector_load %arg9[%swap3A, %swap3A_112] {strides = array<i32>} : memref<256x64xf32, #tpu.memory_space<vmem>>, vector<16xf32>,
        tpu.vector_store %arg9[%swap3A, %swap3A_112], %get3A_109 {strides = array<i32>} : memref<256x64xf32, #tpu.memory_space<vmem>>, vector<16xf32>,
        %add3A_114 = arith.constant 0 : i32
        %add3A_115 = arith.addi %mul3A_105, %add3A_114 : i32
        %get3A_116 = arith.index_cast %add3A_115 : i32 to index
        %get3A_117 = arith.constant 16 : index
        %get3A_118 = tpu.vector_load %arg7[%get3A_116, %get3A_117] {strides = array<i32>} : memref<256x128xf32, #tpu.memory_space<vmem>>, vector<16xf32>,
        %add3A_119 = arith.constant 0 : i32
        %add3A_120 = arith.addi %mul3A_105, %add3A_119 : i32
        %swap3A_121 = arith.index_cast %add3A_120 : i32 to index
        %swap3A_122 = arith.constant 16 : index
        %swap3A_123 = tpu.vector_load %arg9[%swap3A_121, %swap3A_122] {strides = array<i32>} : memref<256x64xf32, #tpu.memory_space<vmem>>, vector<16xf32>,
        tpu.vector_store %arg9[%swap3A_121, %swap3A_122], %get3A_118 {strides = array<i32>} : memref<256x64xf32, #tpu.memory_space<vmem>>, vector<16xf32>,
        %add3A_124 = arith.constant 0 : i32
        %add3A_125 = arith.addi %mul3A_105, %add3A_124 : i32
        %get3A_126 = arith.index_cast %add3A_125 : i32 to index
        %get3A_127 = arith.constant 32 : index
        %get3A_128 = tpu.vector_load %arg7[%get3A_126, %get3A_127] {strides = array<i32>} : memref<256x128xf32, #tpu.memory_space<vmem>>, vector<16xf32>,
        %add3A_129 = arith.constant 0 : i32
        %add3A_130 = arith.addi %mul3A_105, %add3A_129 : i32
        %swap3A_131 = arith.index_cast %add3A_130 : i32 to index
        %swap3A_132 = arith.constant 32 : index
        %swap3A_133 = tpu.vector_load %arg9[%swap3A_131, %swap3A_132] {strides = array<i32>} : memref<256x64xf32, #tpu.memory_space<vmem>>, vector<16xf32>,
        tpu.vector_store %arg9[%swap3A_131, %swap3A_132], %get3A_128 {strides = array<i32>} : memref<256x64xf32, #tpu.memory_space<vmem>>, vector<16xf32>,
        %add3A_134 = arith.constant 0 : i32
        %add3A_135 = arith.addi %mul3A_105, %add3A_134 : i32
        %get3A_136 = arith.index_cast %add3A_135 : i32 to index
        %get3A_137 = arith.constant 48 : index
        %get3A_138 = tpu.vector_load %arg7[%get3A_136, %get3A_137] {strides = array<i32>} : memref<256x128xf32, #tpu.memory_space<vmem>>, vector<16xf32>,
        %add3A_139 = arith.constant 0 : i32
        %add3A_140 = arith.addi %mul3A_105, %add3A_139 : i32
        %swap3A_141 = arith.index_cast %add3A_140 : i32 to index
        %swap3A_142 = arith.constant 48 : index
        %swap3A_143 = tpu.vector_load %arg9[%swap3A_141, %swap3A_142] {strides = array<i32>} : memref<256x64xf32, #tpu.memory_space<vmem>>, vector<16xf32>,
        tpu.vector_store %arg9[%swap3A_141, %swap3A_142], %get3A_138 {strides = array<i32>} : memref<256x64xf32, #tpu.memory_space<vmem>>, vector<16xf32>,
        %add3A_144 = arith.constant 1 : i32
        %add3A_145 = arith.addi %mul3A_105, %add3A_144 : i32
        %get3A_146 = arith.index_cast %add3A_145 : i32 to index
        %get3A_147 = arith.constant 0 : index
        %get3A_148 = tpu.vector_load %arg7[%get3A_146, %get3A_147] {strides = array<i32>} : memref<256x128xf32, #tpu.memory_space<vmem>>, vector<16xf32>,
        %add3A_149 = arith.constant 1 : i32
        %add3A_150 = arith.addi %mul3A_105, %add3A_149 : i32
        %swap3A_151 = arith.index_cast %add3A_150 : i32 to index
        %swap3A_152 = arith.constant 0 : index
        %swap3A_153 = tpu.vector_load %arg9[%swap3A_151, %swap3A_152] {strides = array<i32>} : memref<256x64xf32, #tpu.memory_space<vmem>>, vector<16xf32>,
        tpu.vector_store %arg9[%swap3A_151, %swap3A_152], %get3A_148 {strides = array<i32>} : memref<256x64xf32, #tpu.memory_space<vmem>>, vector<16xf32>,
        %add3A_154 = arith.constant 1 : i32
        %add3A_155 = arith.addi %mul3A_105, %add3A_154 : i32
        %get3A_156 = arith.index_cast %add3A_155 : i32 to index
        %get3A_157 = arith.constant 16 : index
        %get3A_158 = tpu.vector_load %arg7[%get3A_156, %get3A_157] {strides = array<i32>} : memref<256x128xf32, #tpu.memory_space<vmem>>, vector<16xf32>,
        %add3A_159 = arith.constant 1 : i32
        %add3A_160 = arith.addi %mul3A_105, %add3A_159 : i32
        %swap3A_161 = arith.index_cast %add3A_160 : i32 to index
        %swap3A_162 = arith.constant 16 : index
        %swap3A_163 = tpu.vector_load %arg9[%swap3A_161, %swap3A_162] {strides = array<i32>} : memref<256x64xf32, #tpu.memory_space<vmem>>, vector<16xf32>,
        tpu.vector_store %arg9[%swap3A_161, %swap3A_162], %get3A_158 {strides = array<i32>} : memref<256x64xf32, #tpu.memory_space<vmem>>, vector<16xf32>,
        %add3A_164 = arith.constant 1 : i32
        %add3A_165 = arith.addi %mul3A_105, %add3A_164 : i32
        %get3A_166 = arith.index_cast %add3A_165 : i32 to index
        %get3A_167 = arith.constant 32 : index
        %get3A_168 = tpu.vector_load %arg7[%get3A_166, %get3A_167] {strides = array<i32>} : memref<256x128xf32, #tpu.memory_space<vmem>>, vector<16xf32>,
        %add3A_169 = arith.constant 1 : i32
        %add3A_170 = arith.addi %mul3A_105, %add3A_169 : i32
        %swap3A_171 = arith.index_cast %add3A_170 : i32 to index
        %swap3A_172 = arith.constant 32 : index
        %swap3A_173 = tpu.vector_load %arg9[%swap3A_171, %swap3A_172] {strides = array<i32>} : memref<256x64xf32, #tpu.memory_space<vmem>>, vector<16xf32>,
        tpu.vector_store %arg9[%swap3A_171, %swap3A_172], %get3A_168 {strides = array<i32>} : memref<256x64xf32, #tpu.memory_space<vmem>>, vector<16xf32>,
        %add3A_174 = arith.constant 1 : i32
        %add3A_175 = arith.addi %mul3A_105, %add3A_174 : i32
        %get3A_176 = arith.index_cast %add3A_175 : i32 to index
        %get3A_177 = arith.constant 48 : index
        %get3A_178 = tpu.vector_load %arg7[%get3A_176, %get3A_177] {strides = array<i32>} : memref<256x128xf32, #tpu.memory_space<vmem>>, vector<16xf32>,
        %add3A_179 = arith.constant 1 : i32
        %add3A_180 = arith.addi %mul3A_105, %add3A_179 : i32
        %swap3A_181 = arith.index_cast %add3A_180 : i32 to index
        %swap3A_182 = arith.constant 48 : index
        %swap3A_183 = tpu.vector_load %arg9[%swap3A_181, %swap3A_182] {strides = array<i32>} : memref<256x64xf32, #tpu.memory_space<vmem>>, vector<16xf32>,
        tpu.vector_store %arg9[%swap3A_181, %swap3A_182], %get3A_178 {strides = array<i32>} : memref<256x64xf32, #tpu.memory_space<vmem>>, vector<16xf32>,
      }
      %scan3A_61 = arith.constant 128 : i32
      %dma_start3A_62 = arith.constant 0 : i32
      %dma_start3A_63 = tpu.memref_slice %arg4[%add3A_51, %dma_start3A_62] : memref<819200x64xf32, #tpu.memory_space<hbm>> -> memref<256x64xf32, #tpu.memory_space<hbm>>
      %dma_start3A_64 = arith.constant 0 : i32
      %dma_start3A_65 = tpu.memref_slice %arg4[%add3A_51, %dma_start3A_64] : memref<819200x64xf32, #tpu.memory_space<hbm>> -> memref<256x64xf32, #tpu.memory_space<hbm>>
      tpu.enqueue_dma source(%arg9 : memref<256x64xf32, #tpu.memory_space<vmem>>) target(%dma_start3A_65 : memref<256x64xf32, #tpu.memory_space<hbm>>) target_semaphore(%arg14 : memref<!tpu.dma_semaphore, #tpu.memory_space<semaphore_mem>>)
      %add3A_66 = arith.constant 1 : i32
      %add3A_67 = arith.addi %scan3A_27, %add3A_66 : i32
      %lt3A_68 = arith.constant 50 : i32
      %lt3A_69 = arith.cmpi slt, %add3A_67, %lt3A_68 : i32
      %convert_element_type3A_70 = arith.extui %lt3A_69 : i1 to i32
      %cond3A_71 = arith.constant 0 : i32
      %cond3A_72 = arith.cmpi ne, %convert_element_type3A_70, %cond3A_71 : i32
      scf.if %cond3A_72 {
        %add3A_103 = arith.constant 2 : i32
        %add3A_104 = arith.addi %mul3A_29, %add3A_103 : i32
        %mul3A_105 = arith.constant 256 : i32
        %mul3A_106 = arith.muli %add3A_104, %mul3A_105 : i32
        %add3A_107 = arith.addi %mul3A_2, %mul3A_106 : i32
        %dma_wait3A_108 = tpu.memref_slice %arg2[%add3A_107] : memref<819200xi32, #tpu.memory_space<hbm>> -> memref<256xi32, #tpu.memory_space<hbm>>
        %dma_wait3A_109 = tpu.memref_slice %arg2[%add3A_107] : memref<819200xi32, #tpu.memory_space<hbm>> -> memref<256xi32, #tpu.memory_space<hbm>>
        tpu.wait_dma2 semaphore(%arg10 : memref<!tpu.dma_semaphore, #tpu.memory_space<semaphore_mem>>) src(%dma_wait3A_109 : memref<256xi32, #tpu.memory_space<hbm>>) dst(%arg5 : memref<256xi32, #tpu.memory_space<vmem>>)
        %add3A_110 = arith.constant 2 : i32
        %add3A_111 = arith.addi %mul3A_29, %add3A_110 : i32
        %dma_start3A_112 = arith.constant 0 : i32
        %dma_start3A_113 = arith.constant 0 : i32
        %dma_start3A_114 = tpu.memref_slice %arg3[%dma_start3A_112, %dma_start3A_113] : memref<1000000x128xf32, #tpu.memory_space<hbm>> -> memref<1000000x128xf32, #tpu.memory_space<hbm>>
        tpu.enqueue_indirect_dma source(%dma_start3A_114 : memref<1000000x128xf32, #tpu.memory_space<hbm>>) target(%arg7 : memref<256x128xf32, #tpu.memory_space<vmem>>) offsets(%arg5 : memref<256xi32, #tpu.memory_space<vmem>>) semaphore(%arg12 : memref<!tpu.dma_semaphore, #tpu.memory_space<semaphore_mem>>)
      } else {
      }
      %dma_wait3A_73 = arith.constant 0 : i32
      %dma_wait3A_74 = arith.constant 0 : i32
      %dma_wait3A_75 = tpu.memref_slice %arg3[%dma_wait3A_73, %dma_wait3A_74] : memref<1000000x128xf32, #tpu.memory_space<hbm>> -> memref<1000000x128xf32, #tpu.memory_space<hbm>>
      tpu.wait_indirect_dma semaphore(%arg13 : memref<!tpu.dma_semaphore, #tpu.memory_space<semaphore_mem>>) src(%dma_wait3A_75 : memref<1000000x128xf32, #tpu.memory_space<hbm>>) dst(%arg8 : memref<256x128xf32, #tpu.memory_space<vmem>>)
      %add3A_76 = arith.constant 1 : i32
      %add3A_77 = arith.addi %scan3A_27, %add3A_76 : i32
      %lt3A_78 = arith.constant 50 : i32
      %lt3A_79 = arith.cmpi slt, %add3A_77, %lt3A_78 : i32
      %convert_element_type3A_80 = arith.extui %lt3A_79 : i1 to i32
      %cond3A_81 = arith.constant 0 : i32
      %cond3A_82 = arith.cmpi ne, %convert_element_type3A_80, %cond3A_81 : i32
      scf.if %cond3A_82 {
        %add3A_103 = arith.constant 3 : i32
        %add3A_104 = arith.addi %mul3A_29, %add3A_103 : i32
        %mul3A_105 = arith.constant 256 : i32
        %mul3A_106 = arith.muli %add3A_104, %mul3A_105 : i32
        %add3A_107 = arith.addi %mul3A_2, %mul3A_106 : i32
        %dma_start3A_108 = tpu.memref_slice %arg2[%add3A_107] : memref<819200xi32, #tpu.memory_space<hbm>> -> memref<256xi32, #tpu.memory_space<hbm>>
        %dma_start3A_109 = tpu.memref_slice %arg2[%add3A_107] : memref<819200xi32, #tpu.memory_space<hbm>> -> memref<256xi32, #tpu.memory_space<hbm>>
        tpu.enqueue_dma source(%dma_start3A_109 : memref<256xi32, #tpu.memory_space<hbm>>) target(%arg6 : memref<256xi32, #tpu.memory_space<vmem>>) target_semaphore(%arg11 : memref<!tpu.dma_semaphore, #tpu.memory_space<semaphore_mem>>)
      } else {
      }
      %add3A_83 = arith.constant 1 : i32
      %add3A_84 = arith.addi %mul3A_29, %add3A_83 : i32
      %mul3A_85 = arith.constant 256 : i32
      %mul3A_86 = arith.muli %add3A_84, %mul3A_85 : i32
      %add3A_87 = arith.addi %mul3A_2, %mul3A_86 : i32
      %gt3A_88 = arith.constant 0 : i32
      %gt3A_89 = arith.cmpi sgt, %add3A_84, %gt3A_88 : i32
      %convert_element_type3A_90 = arith.extui %gt3A_89 : i1 to i32
      %cond3A_91 = arith.constant 0 : i32
      %cond3A_92 = arith.cmpi ne, %convert_element_type3A_90, %cond3A_91 : i32
      scf.if %cond3A_92 {
        %dma_wait3A_103 = arith.constant 0 : i32
        %dma_wait3A_104 = tpu.memref_slice %arg4[%add3A_87, %dma_wait3A_103] : memref<819200x64xf32, #tpu.memory_space<hbm>> -> memref<256x64xf32, #tpu.memory_space<hbm>>
        %dma_wait3A_105 = arith.constant 0 : i32
        %dma_wait3A_106 = tpu.memref_slice %arg4[%add3A_87, %dma_wait3A_105] : memref<819200x64xf32, #tpu.memory_space<hbm>> -> memref<256x64xf32, #tpu.memory_space<hbm>>
        tpu.wait_dma2 semaphore(%arg14 : memref<!tpu.dma_semaphore, #tpu.memory_space<semaphore_mem>>) src(%arg9 : memref<256x64xf32, #tpu.memory_space<vmem>>) dst(%dma_wait3A_106 : memref<256x64xf32, #tpu.memory_space<hbm>>)
      } else {
      }
      %scan3A_93 = arith.constant 0 : i32
      %scan3A_94 = arith.constant 0 : i32
      %scan3A_95 = arith.constant 128 : i32
      %scan3A_96 = arith.addi %scan3A_94, %scan3A_95 : i32
      %scan3A_97 = arith.constant 1 : i32
      scf.for %scan3A_103 = %scan3A_94 to %scan3A_96 step %scan3A_97  : i32 {
        %mul3A_104 = arith.constant 2 : i32
        %mul3A_105 = arith.muli %scan3A_103, %mul3A_104 : i32
        %add3A_106 = arith.constant 0 : i32
        %add3A_107 = arith.addi %mul3A_105, %add3A_106 : i32
        %get3A = arith.index_cast %add3A_107 : i32 to index
        %get3A_108 = arith.constant 0 : index
        %get3A_109 = tpu.vector_load %arg8[%get3A, %get3A_108] {strides = array<i32>} : memref<256x128xf32, #tpu.memory_space<vmem>>, vector<16xf32>,
        %add3A_110 = arith.constant 0 : i32
        %add3A_111 = arith.addi %mul3A_105, %add3A_110 : i32
        %swap3A = arith.index_cast %add3A_111 : i32 to index
        %swap3A_112 = arith.constant 0 : index
        %swap3A_113 = tpu.vector_load %arg9[%swap3A, %swap3A_112] {strides = array<i32>} : memref<256x64xf32, #tpu.memory_space<vmem>>, vector<16xf32>,
        tpu.vector_store %arg9[%swap3A, %swap3A_112], %get3A_109 {strides = array<i32>} : memref<256x64xf32, #tpu.memory_space<vmem>>, vector<16xf32>,
        %add3A_114 = arith.constant 0 : i32
        %add3A_115 = arith.addi %mul3A_105, %add3A_114 : i32
        %get3A_116 = arith.index_cast %add3A_115 : i32 to index
        %get3A_117 = arith.constant 16 : index
        %get3A_118 = tpu.vector_load %arg8[%get3A_116, %get3A_117] {strides = array<i32>} : memref<256x128xf32, #tpu.memory_space<vmem>>, vector<16xf32>,
        %add3A_119 = arith.constant 0 : i32
        %add3A_120 = arith.addi %mul3A_105, %add3A_119 : i32
        %swap3A_121 = arith.index_cast %add3A_120 : i32 to index
        %swap3A_122 = arith.constant 16 : index
        %swap3A_123 = tpu.vector_load %arg9[%swap3A_121, %swap3A_122] {strides = array<i32>} : memref<256x64xf32, #tpu.memory_space<vmem>>, vector<16xf32>,
        tpu.vector_store %arg9[%swap3A_121, %swap3A_122], %get3A_118 {strides = array<i32>} : memref<256x64xf32, #tpu.memory_space<vmem>>, vector<16xf32>,
        %add3A_124 = arith.constant 0 : i32
        %add3A_125 = arith.addi %mul3A_105, %add3A_124 : i32
        %get3A_126 = arith.index_cast %add3A_125 : i32 to index
        %get3A_127 = arith.constant 32 : index
        %get3A_128 = tpu.vector_load %arg8[%get3A_126, %get3A_127] {strides = array<i32>} : memref<256x128xf32, #tpu.memory_space<vmem>>, vector<16xf32>,
        %add3A_129 = arith.constant 0 : i32
        %add3A_130 = arith.addi %mul3A_105, %add3A_129 : i32
        %swap3A_131 = arith.index_cast %add3A_130 : i32 to index
        %swap3A_132 = arith.constant 32 : index
        %swap3A_133 = tpu.vector_load %arg9[%swap3A_131, %swap3A_132] {strides = array<i32>} : memref<256x64xf32, #tpu.memory_space<vmem>>, vector<16xf32>,
        tpu.vector_store %arg9[%swap3A_131, %swap3A_132], %get3A_128 {strides = array<i32>} : memref<256x64xf32, #tpu.memory_space<vmem>>, vector<16xf32>,
        %add3A_134 = arith.constant 0 : i32
        %add3A_135 = arith.addi %mul3A_105, %add3A_134 : i32
        %get3A_136 = arith.index_cast %add3A_135 : i32 to index
        %get3A_137 = arith.constant 48 : index
        %get3A_138 = tpu.vector_load %arg8[%get3A_136, %get3A_137] {strides = array<i32>} : memref<256x128xf32, #tpu.memory_space<vmem>>, vector<16xf32>,
        %add3A_139 = arith.constant 0 : i32
        %add3A_140 = arith.addi %mul3A_105, %add3A_139 : i32
        %swap3A_141 = arith.index_cast %add3A_140 : i32 to index
        %swap3A_142 = arith.constant 48 : index
        %swap3A_143 = tpu.vector_load %arg9[%swap3A_141, %swap3A_142] {strides = array<i32>} : memref<256x64xf32, #tpu.memory_space<vmem>>, vector<16xf32>,
        tpu.vector_store %arg9[%swap3A_141, %swap3A_142], %get3A_138 {strides = array<i32>} : memref<256x64xf32, #tpu.memory_space<vmem>>, vector<16xf32>,
        %add3A_144 = arith.constant 1 : i32
        %add3A_145 = arith.addi %mul3A_105, %add3A_144 : i32
        %get3A_146 = arith.index_cast %add3A_145 : i32 to index
        %get3A_147 = arith.constant 0 : index
        %get3A_148 = tpu.vector_load %arg8[%get3A_146, %get3A_147] {strides = array<i32>} : memref<256x128xf32, #tpu.memory_space<vmem>>, vector<16xf32>,
        %add3A_149 = arith.constant 1 : i32
        %add3A_150 = arith.addi %mul3A_105, %add3A_149 : i32
        %swap3A_151 = arith.index_cast %add3A_150 : i32 to index
        %swap3A_152 = arith.constant 0 : index
        %swap3A_153 = tpu.vector_load %arg9[%swap3A_151, %swap3A_152] {strides = array<i32>} : memref<256x64xf32, #tpu.memory_space<vmem>>, vector<16xf32>,
        tpu.vector_store %arg9[%swap3A_151, %swap3A_152], %get3A_148 {strides = array<i32>} : memref<256x64xf32, #tpu.memory_space<vmem>>, vector<16xf32>,
        %add3A_154 = arith.constant 1 : i32
        %add3A_155 = arith.addi %mul3A_105, %add3A_154 : i32
        %get3A_156 = arith.index_cast %add3A_155 : i32 to index
        %get3A_157 = arith.constant 16 : index
        %get3A_158 = tpu.vector_load %arg8[%get3A_156, %get3A_157] {strides = array<i32>} : memref<256x128xf32, #tpu.memory_space<vmem>>, vector<16xf32>,
        %add3A_159 = arith.constant 1 : i32
        %add3A_160 = arith.addi %mul3A_105, %add3A_159 : i32
        %swap3A_161 = arith.index_cast %add3A_160 : i32 to index
        %swap3A_162 = arith.constant 16 : index
        %swap3A_163 = tpu.vector_load %arg9[%swap3A_161, %swap3A_162] {strides = array<i32>} : memref<256x64xf32, #tpu.memory_space<vmem>>, vector<16xf32>,
        tpu.vector_store %arg9[%swap3A_161, %swap3A_162], %get3A_158 {strides = array<i32>} : memref<256x64xf32, #tpu.memory_space<vmem>>, vector<16xf32>,
        %add3A_164 = arith.constant 1 : i32
        %add3A_165 = arith.addi %mul3A_105, %add3A_164 : i32
        %get3A_166 = arith.index_cast %add3A_165 : i32 to index
        %get3A_167 = arith.constant 32 : index
        %get3A_168 = tpu.vector_load %arg8[%get3A_166, %get3A_167] {strides = array<i32>} : memref<256x128xf32, #tpu.memory_space<vmem>>, vector<16xf32>,
        %add3A_169 = arith.constant 1 : i32
        %add3A_170 = arith.addi %mul3A_105, %add3A_169 : i32
        %swap3A_171 = arith.index_cast %add3A_170 : i32 to index
        %swap3A_172 = arith.constant 32 : index
        %swap3A_173 = tpu.vector_load %arg9[%swap3A_171, %swap3A_172] {strides = array<i32>} : memref<256x64xf32, #tpu.memory_space<vmem>>, vector<16xf32>,
        tpu.vector_store %arg9[%swap3A_171, %swap3A_172], %get3A_168 {strides = array<i32>} : memref<256x64xf32, #tpu.memory_space<vmem>>, vector<16xf32>,
        %add3A_174 = arith.constant 1 : i32
        %add3A_175 = arith.addi %mul3A_105, %add3A_174 : i32
        %get3A_176 = arith.index_cast %add3A_175 : i32 to index
        %get3A_177 = arith.constant 48 : index
        %get3A_178 = tpu.vector_load %arg8[%get3A_176, %get3A_177] {strides = array<i32>} : memref<256x128xf32, #tpu.memory_space<vmem>>, vector<16xf32>,
        %add3A_179 = arith.constant 1 : i32
        %add3A_180 = arith.addi %mul3A_105, %add3A_179 : i32
        %swap3A_181 = arith.index_cast %add3A_180 : i32 to index
        %swap3A_182 = arith.constant 48 : index
        %swap3A_183 = tpu.vector_load %arg9[%swap3A_181, %swap3A_182] {strides = array<i32>} : memref<256x64xf32, #tpu.memory_space<vmem>>, vector<16xf32>,
        tpu.vector_store %arg9[%swap3A_181, %swap3A_182], %get3A_178 {strides = array<i32>} : memref<256x64xf32, #tpu.memory_space<vmem>>, vector<16xf32>,
      }
      %scan3A_98 = arith.constant 128 : i32
      %dma_start3A_99 = arith.constant 0 : i32
      %dma_start3A_100 = tpu.memref_slice %arg4[%add3A_87, %dma_start3A_99] : memref<819200x64xf32, #tpu.memory_space<hbm>> -> memref<256x64xf32, #tpu.memory_space<hbm>>
      %dma_start3A_101 = arith.constant 0 : i32
      %dma_start3A_102 = tpu.memref_slice %arg4[%add3A_87, %dma_start3A_101] : memref<819200x64xf32, #tpu.memory_space<hbm>> -> memref<256x64xf32, #tpu.memory_space<hbm>>
      tpu.enqueue_dma source(%arg9 : memref<256x64xf32, #tpu.memory_space<vmem>>) target(%dma_start3A_102 : memref<256x64xf32, #tpu.memory_space<hbm>>) target_semaphore(%arg14 : memref<!tpu.dma_semaphore, #tpu.memory_space<semaphore_mem>>)
    }
    %scan3A_20 = arith.constant 50 : i32
    %add3A_21 = arith.constant 25344 : i32
    %add3A_22 = arith.addi %mul3A_2, %add3A_21 : i32
    %dma_wait3A_23 = arith.constant 0 : i32
    %dma_wait3A_24 = tpu.memref_slice %arg4[%add3A_22, %dma_wait3A_23] : memref<819200x64xf32, #tpu.memory_space<hbm>> -> memref<256x64xf32, #tpu.memory_space<hbm>>
    %dma_wait3A_25 = arith.constant 0 : i32
    %dma_wait3A_26 = tpu.memref_slice %arg4[%add3A_22, %dma_wait3A_25] : memref<819200x64xf32, #tpu.memory_space<hbm>> -> memref<256x64xf32, #tpu.memory_space<hbm>>
    tpu.wait_dma2 semaphore(%arg14 : memref<!tpu.dma_semaphore, #tpu.memory_space<semaphore_mem>>) src(%arg9 : memref<256x64xf32, #tpu.memory_space<vmem>>) dst(%dma_wait3A_26 : memref<256x64xf32, #tpu.memory_space<hbm>>)
    return
  }
}

module attributes {stable_mosaic.version = 14 : i64} {
  func.func @_prep_body(%arg0: i32, %arg1: memref<64x16384xf32, #tpu.memory_space<vmem>>, %arg2: memref<16384x128xf32, #tpu.memory_space<vmem>>) attributes {dimension_semantics = [#tpu.dimension_semantics<arbitrary>], iteration_bounds = array<i64: 62>, scalar_prefetch = 0 : i64, scratch_operands = 0 : i64, tpu.core_type = #tpu.core_type<tc>, window_params = [{transform_indices = @transform_0, window_bounds = array<i64: 64, 16384>}, {transform_indices = @transform_1, window_bounds = array<i64: 16384, 128>}]} {
    %get3A = arith.constant 0 : index
    %get3A_0 = arith.constant 0 : index
    %get3A_1 = vector.load %arg1[%get3A, %get3A_0] : memref<64x16384xf32, #tpu.memory_space<vmem>>, vector<64x16384xf32>
    %transpose3A = tpu.transpose %get3A_1, [1, 0] : vector<64x16384xf32> -> vector<16384x64xf32>
    %mul3A = arith.constant 8.000000e+00 : f32
    %mul3A_2 = vector.broadcast %mul3A : f32 to vector<16384x64xf32>
    %mul3A_3 = arith.mulf %transpose3A, %mul3A_2 : vector<16384x64xf32>
    %concatenate3A = tpu.concatenate %mul3A_3, %mul3A_3 in 1 : vector<16384x64xf32>, vector<16384x64xf32> -> vector<16384x128xf32>
    %swap3A = arith.constant 0 : index
    %swap3A_4 = arith.constant 0 : index
    %swap3A_5 = vector.load %arg2[%swap3A, %swap3A_4] : memref<16384x128xf32, #tpu.memory_space<vmem>>, vector<16384x128xf32>
    tpu.vector_store %arg2[%swap3A, %swap3A_4], %concatenate3A {strides = array<i32>} : memref<16384x128xf32, #tpu.memory_space<vmem>>, vector<16384x128xf32>,
    return
  }
  func.func @transform_0(%arg0: i32) -> (i32, i32) {
    %c0_i32 = arith.constant 0 : i32
    %c0_i32_0 = arith.constant 0 : i32
    return %c0_i32, %arg0 : i32, i32
  }
  func.func @transform_1(%arg0: i32) -> (i32, i32) {
    %c0_i32 = arith.constant 0 : i32
    %c0_i32_0 = arith.constant 0 : i32
    return %arg0, %c0_i32 : i32, i32
  }
}

</mosaic_0001>

<sc_bundles>
// kernel: kernel.4.cloned.1.call-start
scs
__scs_entry_jumppad:
0x0: {  	(pc) =	sbr.rel $0x88, $3  }
0x1: {  	(tag) =	ssettag $0x0;
	lr =	simm.s32 $0x1  }
0x2: {  	[smem:$0x3F9F] =	sst lr;
	_ =	strace $0xD0000000  }
0x3: {  	_ = 	snop  }
0x4: {  	_ = 	snop  }
0x5: {  	_ = 	snop  }
0x6: {  	_ = 	snop  }
0x7: {  	_ = 	snop  }
__scs_overlays_trampoline_lowered:
0x8: {  	[smem:$0x3FAE] =	sst s0  }
0x9: {  	[smem:$0x3FAF] =	sst s1  }
0xa: {  	[smem:$0x3FB0] =	sst s2  }
0xb: {  	[smem:$0x3FB1] =	sst s3  }
0xc: {  	[smem:$0x3FB2] =	sst s4  }
0xd: {  	[smem:$0x3FB3] =	sst s5  }
0xe: {  	[smem:$0x3FB4] =	sst s6  }
0xf: {  	[smem:$0x3FB5] =	sst s7  }
0x10: {  	[smem:$0x3FB6] =	sst s8  }
0x11: {  	[smem:$0x3FB7] =	sst s9;
	s0 =	simm.s32 @!p0 $0x0  }
0x12: {  	s1 =	sld [smem:$0x3F9D];
	s0 =	simm.s32 @p0 $0x1  }
0x13: {  	[smem:$0x3FB8] =	sst s0;
	s0 =	simm.s32 @!p1 $0x0  }
0x14: {  	s2 =	sld [smem:$0x3F9C];
	s0 =	simm.s32 @p1 $0x1  }
0x15: {  	[smem:$0x3FB9] =	sst s0;
	s0 =	simm.s32 @!p2 $0x0  }
0x16: {  	s3 =	sld [smem:$0x3FDB];
	s0 =	simm.s32 @p2 $0x1  }
0x17: {  	s4 =	simm.s32 $0x1BF5;
	[smem:$0x3FBB] =	sst s0  }
0x18: {  	s0 =	sld [smem:$0x3F9E];
	_ =	swait.ge [sflag:s4], $0x0  }
0x19: {  	s7 =	sld [smem:$0x3F9F]  }
0x1a: {  	s8 =	sadd.s32 $0xFFFFE003, lr  }
0x1b: {  	s9 =	sadd.s32 $0xFFFFFEF7, lr;
	s5 =	simm.s32 $0xFFFFFFFF;
	p2 =	slt.u32 s8, $0xFFFFF086  }
0x1c: {  	p1 =	slt.u32 s9, $0xF7A;
	s5 =	simm.s32 @!p2 $0x0  }
0x1d: {  	s5 =	simm.s32 @p1 $0x1;
	p0 =	seq.s32 s7, s2  }
0x1e: {  	s7 =	smul.u32 @!p0 $0xF7A, s2;
	p2 =	seq.s32 @!p0 s5, $0x0  }
0x1f: {  	s9 =	smul.u32 $0xF7A, s1;
	s8 =	simm.s32 @!p0 $0x1BF5;
	p2 =	por !p2, p0  }
0x20: {  	[sflag:s8] =	ssyncset.s32 @!p0 $0xFFFFF086;
	s6 =	sadd.s32 @!p0 s3, s7;
	s7 =	simm.s32 @!p0 $0x108  }
0x21: {  	s3 =	sadd.s32 s3, s9;
	s6 =	sadd.s32 @!p0 $0x88, s6;
	s7 =	simm.s32 @p2 $0x1082  }
0x22: {  	[simem:s7], [sflag:s8] =	dma.local @!p0 [hbm:s6], $0xF7A  }
0x23: {  	s9 =	sor.u32 $0xD0000000, s2;
	s6 =	simm.s32 $0x108;
	_ =	swait.ge @!p0 [sflag:s8], $0x0  }
0x24: {  	s3 =	sadd.s32 $0x88, s3;
	s6 =	simm.s32 @!p1 $0x1082;
	[sflag:s4] =	ssyncset.s32 $0xFFFFF086  }
0x25: {  	[simem:s6], [sflag:s4] =	dma.local [hbm:s3], $0xF7A  }
0x26: {  	[smem:$0x3F9F] =	sst s1;
	(tag) =	ssettag s2;
	_ =	strace s9  }
0x27: {  	s1 =	sld [smem:$0x3FAF]  }
0x28: {  	s2 =	sld [smem:$0x3FB0]  }
0x29: {  	s4 =	sld [smem:$0x3FB2]  }
0x2a: {  	p0 =	seq.s32 s5, $0x0;
	s5 =	sld [smem:$0x3FB3]  }
0x2b: {  	s6 =	sld [smem:$0x3FB4]  }
0x2c: {  	s7 =	sld [smem:$0x3FB5]  }
0x2d: {  	s3 =	simm.s32 $0x108;
	s8 =	sld [smem:$0x3FB6]  }
0x2e: {  	s3 =	simm.s32 @!p0 $0x1082;
	s9 =	sld [smem:$0x3FB7]  }
0x2f: {  	lr =	sadd.s32 s0, s3;
	s0 =	sld [smem:$0x3FAE]  }
0x30: {  	s3 =	sld [smem:$0x3FB1]  }
0x31: {  	[smem:$0x3FBA] =	sst s10  }
0x32: {  	s10 =	sld [smem:$0x3FB8];
	_ =	sdelay $0x3  }
0x33: {  	p0 =	seq.s32 s10, $0x1;
	s10 =	sld [smem:$0x3FBA];
	_ =	sdelay $0x3  }
0x34: {  	[smem:$0x3FBA] =	sst s10  }
0x35: {  	s10 =	sld [smem:$0x3FB9];
	_ =	sdelay $0x3  }
0x36: {  	p1 =	seq.s32 s10, $0x1;
	s10 =	sld [smem:$0x3FBA];
	_ =	sdelay $0x3  }
0x37: {  	[smem:$0x3FBA] =	sst s10  }
0x38: {  	s10 =	sld [smem:$0x3FBB]  }
0x39: {  	_ = 	snop;
	(pc) =	sbr.ind lr, $3  }
0x3a: {  	_ = 	snop  }
0x3b: {  	_ = 	snop  }
0x3c: {  	p2 =	seq.s32 s10, $0x1;
	s10 =	sld [smem:$0x3FBA]  }
0x3d: {  	_ =	shalt  }
0x3e: {  	_ =	shalt  }
0x3f: {  	_ =	shalt  }
0x40: {  	_ =	shalt  }
0x41: {  	_ =	shalt  }
0x42: {  	_ =	shalt  }
0x43: {  	_ =	shalt  }
0x44: {  	_ =	shalt  }
0x45: {  	_ =	shalt  }
0x46: {  	_ =	shalt  }
0x47: {  	_ =	shalt  }
0x48: {  	_ =	shalt  }
0x49: {  	_ =	shalt  }
0x4a: {  	_ =	shalt  }
0x4b: {  	_ =	shalt  }
0x4c: {  	_ =	shalt  }
0x4d: {  	_ =	shalt  }
0x4e: {  	_ =	shalt  }
0x4f: {  	_ =	shalt  }
0x50: {  	_ =	shalt  }
0x51: {  	_ =	shalt  }
0x52: {  	_ =	shalt  }
0x53: {  	_ =	shalt  }
0x54: {  	_ =	shalt  }
0x55: {  	_ =	shalt  }
0x56: {  	_ =	shalt  }
0x57: {  	_ =	shalt  }
0x58: {  	_ =	shalt  }
0x59: {  	_ =	shalt  }
0x5a: {  	_ =	shalt  }
0x5b: {  	_ =	shalt  }
0x5c: {  	_ =	shalt  }
0x5d: {  	_ =	shalt  }
0x5e: {  	_ =	shalt  }
0x5f: {  	_ =	shalt  }
0x60: {  	_ =	shalt  }
0x61: {  	_ =	shalt  }
0x62: {  	_ =	shalt  }
0x63: {  	_ =	shalt  }
0x64: {  	_ =	shalt  }
0x65: {  	_ =	shalt  }
0x66: {  	_ =	shalt  }
0x67: {  	_ =	shalt  }
0x68: {  	_ =	shalt  }
0x69: {  	_ =	shalt  }
0x6a: {  	_ =	shalt  }
0x6b: {  	_ =	shalt  }
0x6c: {  	_ =	shalt  }
0x6d: {  	_ =	shalt  }
0x6e: {  	_ =	shalt  }
0x6f: {  	_ =	shalt  }
0x70: {  	_ =	shalt  }
0x71: {  	_ =	shalt  }
0x72: {  	_ =	shalt  }
0x73: {  	_ =	shalt  }
0x74: {  	_ =	shalt  }
0x75: {  	_ =	shalt  }
0x76: {  	_ =	shalt  }
0x77: {  	_ =	shalt  }
0x78: {  	_ =	shalt  }
0x79: {  	_ =	shalt  }
0x7a: {  	_ =	shalt  }
0x7b: {  	_ =	shalt  }
0x7c: {  	_ =	shalt  }
0x7d: {  	_ =	shalt  }
0x7e: {  	_ =	shalt  }
0x7f: {  	_ =	shalt  }
0x80: {  	_ =	shalt  }
0x81: {  	_ =	shalt  }
0x82: {  	_ =	shalt  }
0x83: {  	_ =	shalt  }
0x84: {  	_ =	shalt  }
0x85: {  	_ =	shalt  }
0x86: {  	_ =	shalt  }
0x87: {  	_ =	shalt  }
.Lfunc_end0:
.L_simem_size_0:
called_computation.1_lowered:
.L_overlay_start_0:
0x88: {  	s2 =	sld [smem:$0x3FD9]  }
0x89: {  	s3 =	sld [smem:$0x3FFE];
	_ =	sdelay $0x1  }
0x8a: {  	s1 =	srdreg.scid  }
0x8b: {  	s0 =	sand.u32 $0x1, s1  }
0x8c: {  	s17 =	sshll.u32 s0, $0xA;
	s2 =	sadd.s32 s3, s2  }
0x8d: {  	s2 =	sadd.s32 s2, s17  }
0x8e: {  	[smem:$0x3FC6] =	sst s2  }
0x8f: {  	_ = 	snop  }
0x90: {  	s2 =	sld [smem:$0x3FD0];
	(tm) =	ssettm $0x1  }
0x91: {  	s18 =	sld [smem:$0x3FFB];
	_ =	sdelay $0x3  }
0x92: {  	_ =	strace s18  }
0x93: {  	s3 =	sld [smem:$0x3FFC];
	_ =	sdelay $0x3  }
0x94: {  	_ =	strace s3  }
0x95: {  	s3 =	sld [smem:$0x3FFD];
	_ =	sdelay $0x3  }
0x96: {  	_ =	strace s3  }
0x97: {  	_ =	strace $0x8FFFFFFF  }
0x98: {  	s19 =	sld [smem:$0x3FDB];
	_ =	sdelay $0x1  }
0x99: {  	s4 =	simm.s32 $_scs_section_size  }
0x9a: {  	s5 =	simm.s32 $_size__tile_overlayer_lowered;
	s6 =	simm.s32 $_tile_overlayer_lowered  }
0x9b: {  	s22 =	simm.s32 $0x1BFF;
	s21 =	sshll.u32 s6, $0x1;
	s3 =	sadd.s32 s4, s19  }
0x9c: {  	s7 =	simm.s32 $0x0;
	s20 =	sshll.u32 s5, $0x1;
	s5 =	sadd.s32 s21, s3  }
0x9d: {  	[timem:s7], [sflag:s22] =	dma.local [hbm:s5], s20  }
0x9e: {  	_ =	swait.ge [sflag:s22], s20  }
0x9f: {  	s4 =	ssub.s32 $0x0, s20;
	[sflag:s22] =	ssyncset.done $0x0  }
0xa0: {  	[sflag:s22] =	ssyncadd.s32 s4;
	_ =	sdelay $0x1  }
0xa1: {  	s23 =	simm.s32 $0x1B8B  }
0xa2: {  	_ =	swait.ge [sflag:s23], $0x1  }
0xa3: {  	[sflag:s23] =	ssyncset.done $0x0  }
0xa4: {  	s25 =	simm.s32 $0x1B8E;
	s24 =	sld [smem:$0x3FFE];
	[sflag:s23] =	ssyncadd.s32 $0xFFFFFFFF  }
0xa5: {  	s26 =	simm.s32 $execute0_lowered;
	[smem:$0x3FD2] =	sst s25  }
0xa6: {  	s5 =	sshll.u32 s26, $0x1;
	_ =	strace $0x80000046;
	[dreg:$0x1] =	wrdreg $0xFFFFFFFF  }
0xa7: {  	s28 =	simm.s32 $_size_execute0_lowered;
	s3 =	sadd.s32 s3, s5;
	[dreg:$0x0] =	wrdreg $0x0  }
0xa8: {  	s5 =	sshll.u32 s28, $0x1;
	[dreg:$0x2] =	wrdreg s3  }
0xa9: {  	[dreg:$0x3] =	wrdreg s5  }
0xaa: {  	[dreg:$0x4] =	wrdreg $0xC0  }
0xab: {  	_ =	task [dreg:s7], $0x5FFFF  }
0xac: {  	[dreg:$0x1] =	wrdreg $0xFFFFFFFF  }
0xad: {  	[dreg:$0x0] =	wrdreg $0x60  }
0xae: {  	[dreg:$0x2] =	wrdreg s2  }
0xaf: {  	[dreg:$0x3] =	wrdreg s24  }
0xb0: {  	[dreg:$0x4] =	wrdreg $0x9  }
0xb1: {  	_ =	task.clear_ibuf [dreg:s7], $0x5FFFF;
	_ =	strace $0x90000046  }
0xb2: {  	s29 =	simm.s32 $0x9;
	_ =	strace $0x80000048  }
0xb3: {  	_ =	swait.ge [sflag:s29], $0x1  }
0xb4: {  	[sflag:s29] =	ssyncadd.s32 $0xFFFFFFFF  }
0xb5: {  	_ =	strace $0x90000048  }
0xb6: {  	_ =	sfence  }
0xb7: {  	s30 =	sld [smem:$0x0];
	_ =	sdelay $0x2  }
0xb8: {  	s31 =	sshll.u32 s1, $0xD;
	s1 =	sshrl.u32 s1, $0x2  }
0xb9: {  	s3 =	sand.u32 $0x4000, s31;
	s1 =	sadd.s32 s1, s30  }
0xba: {  	s0 =	sor.u32 s3, s0;
	s1 =	sshll.u32 s1, $0x11  }
0xbb: {  	s0 =	sor.u32 s1, s0  }
0xbc: {  	s0 =	sadd.s32 $0x8F2B, s0  }
0xbd: {  	[sflag:s0] =	ssyncadd.remote.s32 $0x1  }
0xbe: {  	_ =	sfence.sel $0xFFFF  }
0xbf: {  	[dreg:$0x0] =	wrdreg $0xFFFFFFFF;
	(pc) =	sbr.abs _section_cstart, $3  }
0xc0: {  	[dreg:$0x1] =	wrdreg $0xFFFFFFFF  }
0xc1: {  	_ =	task.clear_ibuf [dreg:s7], $0x2FFFF;
	_ =	strace $0x9FFFFFFF  }
0xc2: {  	(tm) =	ssettm $0x7FFFFFFF  }
0xc3: {  	_ =	shalt  }
tec
execute0_lowered:
.L_overlay_start_1:
0x0: {  	(tag) =	ssettag $0x1  }
0x1: {  	s2 =	rddreg [dreg:$0x0];
	s1 =	srdreg.scid  }
0x2: {  	s0 =	stileid.u32;
	s5 =	rddreg [dreg:$0x1]  }
0x3: {  	s3 =	simm.s32 $0x0;
	s13 =	simm.s32 $0x100;
	s14 =	simm.s32 $0x1  }
0x4: {  	s15 =	simm.s32 $0x200;
	s16 =	simm.s32 $0x2;
	s17 =	simm.s32 $0x8200  }
0x5: {  	s18 =	simm.s32 $0x3;
	s19 =	simm.s32 $0x10200;
	s20 =	simm.s32 $0x5  }
0x6: {  	s4 =	sand.u32 $0x1, s1;
	s6 =	sshll.u32 s0, $0x1;
	s1 =	rddreg [dreg:$0x2]  }
0x7: {  	s21 =	simm.s32 $0x0;
	[smem:$0x7FF] =	sst s3;
	s10 =	sor.u32 s4, s6  }
0x8: {  	_ =	strace $0x80000047;
	s31 =	ssub.s32 $0x2, s4;
	s11 =	smul.u32 $0x6400, s10  }
0x9: {  	s4 =	sadd.s32 $0x800, s5;
	s5 =	sadd.s32 $0xF42C00, s5;
	s7 =	sshrl.u32 s31, $0x1  }
0xa: {  	s10 =	smul.u32 $0x320000, s10;
	s12 =	ssub.s32 s31, s7;
	s8 =	sshrl.u32 s11, $0x3  }
0xb: {  	s9 =	sor.u32 $0x200, s11;
	s12 =	smax.u32 s12, $0x1;
	s6 =	sadd.s32 s2, s8  }
0xc: {  	s8 =	sor.u32 $0x100, s11;
	s11 =	sor.u32 $0x300, s11;
	s7 =	sadd.s32 $0x20, s6  }
.LBB2_1:
0xd: {  	[tilespmem:s3], [sflag:$0x1] =	stream.linear.gather [hbm4b:s6+s3], $0x100, $0x38;
	[tilespmem:$0x18200] =	vst v63  }
0xe: {  	_ = 	snop  }
0xf: {  	[tilespmem:s13], [sflag:$0x2] =	stream.linear.gather [hbm4b:s7+s3], $0x100, $0x38;
	[tilespmem:$0x18200] =	vst v63  }
0x10: {  	_ =	swait.ge [sflag:s14], $0x100  }
0x11: {  	[sflag:s14] =	ssyncset.done $0x0  }
0x12: {  	s25 =	simm.s32 $0x0;
	[sflag:s14] =	ssyncadd.s32 $0xFFFFFF00  }
0x13: {  	[tilespmem:s15], [sflag:$0x3] =	stream.indirect.gather [hbm4b:s4+s13], $0x80, s3, s13, $0xb8;
	[tilespmem:$0x18200] =	vst v63  }
.LBB2_2:
0x14: {  	_ =	swait.ge [sflag:s16], $0x100  }
0x15: {  	[sflag:s16] =	ssyncset.done $0x0  }
0x16: {  	s24 =	sshll.u32 s25, $0x9;
	p0 =	seq.s32 s25, $0x31;
	[sflag:s16] =	ssyncadd.s32 $0xFFFFFF00  }
0x17: {  	[tilespmem:s17], [sflag:$0x4] =	stream.indirect.gather [hbm4b:s4+s13], $0x80, s13, s13, $0xb8;
	[tilespmem:$0x18200] =	vst v63  }
0x18: {  	s22 =	sadd.s32 @!p0 s24, s9;
	s23 =	simm.s32 @!p0 $0x0;
	_ =	swait.ge [sflag:s18], $0x8000  }
0x19: {  	p1 =	seq.s32 @!p0 s25, $0x0;
	s22 =	sshrl.u32 @!p0 s22, $0x3;
	[sflag:s18] =	ssyncset.done $0x0  }
0x1a: {  	p1 =	por p0, !p1;
	s22 =	sadd.s32 @!p0 s2, s22;
	[sflag:s18] =	ssyncadd.s32 $0xFFFF8000  }
0x1b: {  	[tilespmem:s23], [sflag:$0x1] =	stream.linear.gather @!p0 [hbm4b:s22+s23], $0x100, $0x38;
	[tilespmem:$0x18200] =	vst v63  }
0x1c: {  	_ =	swait.ge @p1 [sflag:s20], $0x8000  }
0x1d: {  	[sflag:s20] =	ssyncset.done @p1 $0x0  }
0x1e: {  	s26 =	simm.s32 $0x0;
	[sflag:s20] =	ssyncadd.s32 @p1 $0xFFFF8000  }
0x1f: {  	v3 =	vld [tilespmem:s26+$0x2B0]  }
0x20: {  	v4 =	vld [tilespmem:s26+$0x200]  }
0x21: {  	v5 =	vld [tilespmem:s26+$0x210]  }
0x22: {  	v2 =	vld [tilespmem:s26+$0x220]  }
0x23: {  	v0 =	vld [tilespmem:s26+$0x230]  }
0x24: {  	v1 =	vld [tilespmem:s26+$0x280];
	[tilespmem:s26+$0x102B0] =	vst v3  }
0x25: {  	s28 =	simm.s32 $0x100;
	[tilespmem:s26+$0x10200] =	vst v4;
	v3 =	vld [tilespmem:s26+$0x290]  }
0x26: {  	s29 =	simm.s32 $0x800;
	s23 =	sadd.s32 s24, s8;
	s22 =	sadd.s32 $0x1, s25;
	[tilespmem:s26+$0x10210] =	vst v5;
	v4 =	vld [tilespmem:s26+$0x2A0]  }
.LBB2_3:
0x27: {  	p1 =	sne.s32 s29, $0x1FC00;
	v5 =	vld [tilespmem:s28+$0x2B0];
	[tilespmem:s26+$0x10220] =	vst v2  }
0x28: {  	v6 =	vld [tilespmem:s28+$0x200];
	[tilespmem:s26+$0x10230] =	vst v0  }
0x29: {  	v7 =	vld [tilespmem:s28+$0x210];
	[tilespmem:s26+$0x10280] =	vst v1  }
.Ltmp0:
0x2a: {  	v2 =	vld [tilespmem:s28+$0x220];
	[tilespmem:s26+$0x10290] =	vst v3;
	(pc) =	sbr.rel @p1 .LBB2_3-.Ltmp0, $4  }
0x2b: {  	v0 =	vld [tilespmem:s28+$0x230];
	[tilespmem:s26+$0x102A0] =	vst v4;
	s26 =	smov.u32 s28  }
0x2c: {  	v1 =	vld [tilespmem:s26+$0x280];
	[tilespmem:s26+$0x102B0] =	vst v5  }
0x2d: {  	[tilespmem:s26+$0x10200] =	vst v6;
	v3 =	vld [tilespmem:s26+$0x290]  }
0x2e: {  	s28 =	sshra.s32 s29, $0x2;
	s29 =	sadd.s32 $0x400, s29;
	[tilespmem:s26+$0x10210] =	vst v7;
	v4 =	vld [tilespmem:s26+$0x2A0]  }
0x2f: {  	v5 =	vld [tilespmem:s28+$0x2B0];
	[tilespmem:s26+$0x10220] =	vst v2  }
0x30: {  	v2 =	vld [tilespmem:s28+$0x200];
	[tilespmem:s26+$0x10230] =	vst v0  }
0x31: {  	v0 =	vld [tilespmem:s28+$0x210];
	[tilespmem:s26+$0x10280] =	vst v1  }
0x32: {  	v1 =	vld [tilespmem:s28+$0x220];
	[tilespmem:s26+$0x10290] =	vst v3  }
0x33: {  	v3 =	vld [tilespmem:s28+$0x230];
	[tilespmem:s26+$0x102A0] =	vst v4  }
0x34: {  	v4 =	vld [tilespmem:s28+$0x280];
	[tilespmem:s28+$0x102B0] =	vst v5  }
0x35: {  	[tilespmem:s28+$0x10200] =	vst v2;
	v2 =	vld [tilespmem:s28+$0x290]  }
0x36: {  	[tilespmem:s28+$0x10210] =	vst v0;
	v0 =	vld [tilespmem:s28+$0x2A0]  }
0x37: {  	[tilespmem:s28+$0x10220] =	vst v1  }
0x38: {  	s25 =	sshll.u32 s25, $0x10;
	[tilespmem:s28+$0x10230] =	vst v3  }
0x39: {  	s25 =	sadd.s32 s10, s25;
	[tilespmem:s28+$0x10280] =	vst v4  }
0x3a: {  	s25 =	sshrl.u32 s25, $0x3;
	[tilespmem:s28+$0x10290] =	vst v2  }
0x3b: {  	s25 =	sadd.s32 s5, s25;
	[tilespmem:s28+$0x102A0] =	vst v0  }
0x3c: {  	[hbm4b:s25+s3] =	stream.linear.scatter [tilespmem:s19], [sflag:$0x5], $0x8000, $0x38;
	[tilespmem:$0x18200] =	vst v63  }
0x3d: {  	s25 =	simm.s32 @p0 $0x4  }
0x3e: {  	_ =	swait.ge @p0 [sflag:s25], $0x8000  }
0x3f: {  	[sflag:s25] =	ssyncset.done @p0 $0x0  }
0x40: {  	[sflag:s25] =	ssyncadd.s32 @p0 $0xFFFF8000;
	s25 =	simm.s32 @!p0 $0x1  }
0x41: {  	_ =	swait.ge @!p0 [sflag:s25], $0x100  }
0x42: {  	s26 =	simm.s32 @!p0 $0x0;
	[sflag:s25] =	ssyncset.done @!p0 $0x0  }
0x43: {  	s28 =	simm.s32 @!p0 $0x200;
	[sflag:s25] =	ssyncadd.s32 @!p0 $0xFFFFFF00;
	s25 =	simm.s32 @!p0 $0x100  }
0x44: {  	[tilespmem:s28], [sflag:$0x3] =	stream.indirect.gather @!p0 [hbm4b:s4+s25], $0x80, s26, s25, $0xb8;
	[tilespmem:$0x18200] =	vst v63  }
0x45: {  	s28 =	simm.s32 @!p0 $0x4  }
0x46: {  	s24 =	sadd.s32 @!p0 s24, s11;
	_ =	swait.ge @!p0 [sflag:s28], $0x8000  }
0x47: {  	s24 =	sshrl.u32 @!p0 s24, $0x3;
	[sflag:s28] =	ssyncset.done @!p0 $0x0  }
0x48: {  	s24 =	sadd.s32 @!p0 s2, s24;
	[sflag:s28] =	ssyncadd.s32 @!p0 $0xFFFF8000  }
0x49: {  	[tilespmem:s25], [sflag:$0x2] =	stream.linear.gather @!p0 [hbm4b:s24+s26], $0x100, $0x38;
	[tilespmem:$0x18200] =	vst v63  }
0x4a: {  	_ =	swait.ge [sflag:s20], $0x8000  }
0x4b: {  	[sflag:s20] =	ssyncset.done $0x0  }
0x4c: {  	s24 =	simm.s32 $0x0;
	[sflag:s20] =	ssyncadd.s32 $0xFFFF8000  }
0x4d: {  	v3 =	vld [tilespmem:s24+$0x82B0]  }
0x4e: {  	v4 =	vld [tilespmem:s24+$0x8200]  }
0x4f: {  	v5 =	vld [tilespmem:s24+$0x8210]  }
0x50: {  	v2 =	vld [tilespmem:s24+$0x8220]  }
0x51: {  	v0 =	vld [tilespmem:s24+$0x8230]  }
0x52: {  	v1 =	vld [tilespmem:s24+$0x8280];
	[tilespmem:s24+$0x102B0] =	vst v3  }
0x53: {  	[tilespmem:s24+$0x10200] =	vst v4;
	v3 =	vld [tilespmem:s24+$0x8290]  }
0x54: {  	s25 =	simm.s32 $0x100;
	s26 =	simm.s32 $0x800;
	[tilespmem:s24+$0x10210] =	vst v5;
	v4 =	vld [tilespmem:s24+$0x82A0]  }
.LBB2_5:
0x55: {  	p0 =	sne.s32 s26, $0x1FC00;
	v5 =	vld [tilespmem:s25+$0x82B0];
	[tilespmem:s24+$0x10220] =	vst v2  }
0x56: {  	v6 =	vld [tilespmem:s25+$0x8200];
	[tilespmem:s24+$0x10230] =	vst v0  }
0x57: {  	v7 =	vld [tilespmem:s25+$0x8210];
	[tilespmem:s24+$0x10280] =	vst v1  }
.Ltmp1:
0x58: {  	v2 =	vld [tilespmem:s25+$0x8220];
	[tilespmem:s24+$0x10290] =	vst v3;
	(pc) =	sbr.rel @p0 .LBB2_5-.Ltmp1, $4  }
0x59: {  	v0 =	vld [tilespmem:s25+$0x8230];
	[tilespmem:s24+$0x102A0] =	vst v4;
	s24 =	smov.u32 s25  }
0x5a: {  	v1 =	vld [tilespmem:s24+$0x8280];
	[tilespmem:s24+$0x102B0] =	vst v5  }
0x5b: {  	[tilespmem:s24+$0x10200] =	vst v6;
	v3 =	vld [tilespmem:s24+$0x8290]  }
0x5c: {  	s25 =	sshra.s32 s26, $0x2;
	s26 =	sadd.s32 $0x400, s26;
	[tilespmem:s24+$0x10210] =	vst v7;
	v4 =	vld [tilespmem:s24+$0x82A0]  }
0x5d: {  	v5 =	vld [tilespmem:s25+$0x82B0];
	[tilespmem:s24+$0x10220] =	vst v2  }
0x5e: {  	v2 =	vld [tilespmem:s25+$0x8200];
	[tilespmem:s24+$0x10230] =	vst v0  }
0x5f: {  	v0 =	vld [tilespmem:s25+$0x8210];
	[tilespmem:s24+$0x10280] =	vst v1  }
0x60: {  	v1 =	vld [tilespmem:s25+$0x8220];
	[tilespmem:s24+$0x10290] =	vst v3  }
0x61: {  	v3 =	vld [tilespmem:s25+$0x8230];
	[tilespmem:s24+$0x102A0] =	vst v4  }
0x62: {  	v4 =	vld [tilespmem:s25+$0x8280];
	[tilespmem:s25+$0x102B0] =	vst v5  }
0x63: {  	v62 =	vld [tilespmem:s25+$0x8290];
	[tilespmem:s25+$0x10200] =	vst v2  }
0x64: {  	v63 =	vld [tilespmem:s25+$0x82A0];
	[tilespmem:s25+$0x10210] =	vst v0  }
0x65: {  	p0 =	sne.s32 s22, $0x32;
	[tilespmem:s25+$0x10220] =	vst v1  }
.Ltmp2:
0x66: {  	[tilespmem:s25+$0x10230] =	vst v3;
	(pc) =	sbr.rel @p0 .LBB2_2-.Ltmp2, $4  }
0x67: {  	[tilespmem:s25+$0x10280] =	vst v4  }
0x68: {  	s23 =	sshll.u32 s23, $0x4;
	[tilespmem:s25+$0x10290] =	vst v62  }
0x69: {  	s23 =	sadd.s32 s5, s23;
	[tilespmem:s25+$0x102A0] =	vst v63;
	s25 =	smov.u32 s22  }
0x6a: {  	[hbm4b:s23+s3] =	stream.linear.scatter [tilespmem:s19], [sflag:$0x5], $0x8000, $0x38;
	[tilespmem:$0x18200] =	vst v63  }
0x6b: {  	s21 =	sadd.s32 $0x1, s21  }
0x6c: {  	p0 =	sne.s32 s21, s12  }
.Ltmp3:
0x6d: {  	_ = 	snop;
	(pc) =	sbr.rel @p0 .LBB2_1-.Ltmp3, $4  }
0x6e: {  	_ = 	snop  }
0x6f: {  	_ =	swait.ge [sflag:s20], $0x8000  }
0x70: {  	[sflag:s20] =	ssyncset.done $0x0  }
0x71: {  	[sflag:s20] =	ssyncadd.s32 $0xFFFF8000  }
0x72: {  	_ =	sfence.sel $0x180000  }
0x73: {  	[bflag:$0x0] =	sbarrier.arrive $0xFFFF  }
0x74: {  	p0 =	sne.s32 s0, $0x0;
	_ =	strace $0x90000047  }
0x75: {  	s0 =	sadd.s32 @!p0 $0x100000, s1;
	[bflag:$0x2] =	sbarrier.arrive $0xFFFF  }
0x76: {  	[sflag:s0] =	ssyncadd.tile.s32 @!p0 $0x1;
	_ =	shalt  }
.Lfunc_end2:
_tile_overlayer_lowered:
.L_overlay_start_2:
0x77: {  	(tag) =	ssettag $0x2  }
0x78: {  	s0 =	rddreg [dreg:$0x0];
	s2 =	stileid.u32  }
0x79: {  	s1 =	rddreg [dreg:$0x1];
	p0 =	sne.s32 s2, $0x0  }
0x7a: {  	s3 =	rddreg [dreg:$0x2];
	[bflag:$0x3] =	sbarrier.arrive $0xFFFF;
	s2 =	simm.s32 @!p0 $0x1C06  }
0x7b: {  	[timem:s3], [sflag:s2] =	dma.local @!p0 [hbm:s0], s1  }
0x7c: {  	s0 =	simm.s32 @!p0 $0x6  }
0x7d: {  	_ =	swait.ge @!p0 [sflag:s0], s1  }
0x7e: {  	s1 =	ssub.s32 @!p0 $0x0, s1;
	[sflag:s0] =	ssyncset.done @!p0 $0x0  }
0x7f: {  	[sflag:s0] =	ssyncadd.s32 @!p0 s1  }
0x80: {  	[bflag:$0x3] =	sbarrier.arrive $0xFFFF  }
0x81: {  	_ =	shalt  }

// kernel: sparse-core-data-format-call.cloned.1.call-start
scs
called_computation_lowered:
.L_overlay_start_0:
0x0: {  	s2 =	sld [smem:$0x3FD9]  }
0x1: {  	s3 =	sld [smem:$0x3FFE];
	_ =	sdelay $0x1  }
0x2: {  	s1 =	srdreg.scid  }
0x3: {  	s0 =	sand.u32 $0x1, s1  }
0x4: {  	s18 =	sshll.u32 s0, $0xA;
	s2 =	sadd.s32 s3, s2  }
0x5: {  	s2 =	sadd.s32 s2, s18  }
0x6: {  	[smem:$0x3FC6] =	sst s2  }
0x7: {  	_ = 	snop  }
0x8: {  	s2 =	sld [smem:$0x3FD0];
	(tm) =	ssettm $0x1  }
0x9: {  	s19 =	sld [smem:$0x3FFB];
	_ =	sdelay $0x3  }
0xa: {  	_ =	strace s19  }
0xb: {  	s3 =	sld [smem:$0x3FFC];
	_ =	sdelay $0x3  }
0xc: {  	_ =	strace s3  }
0xd: {  	s3 =	sld [smem:$0x3FFD];
	_ =	sdelay $0x3  }
0xe: {  	_ =	strace s3  }
0xf: {  	_ =	strace $0x8FFFFFFF  }
0x10: {  	s20 =	sld [smem:$0x3FDB];
	_ =	sdelay $0x1  }
0x11: {  	s4 =	simm.s32 $_scs_section_size  }
0x12: {  	s5 =	simm.s32 $_size__tile_overlayer_lowered;
	s6 =	simm.s32 $_tile_overlayer_lowered  }
0x13: {  	s23 =	simm.s32 $0x1BFF;
	s22 =	sshll.u32 s6, $0x1;
	s3 =	sadd.s32 s4, s20  }
0x14: {  	s7 =	simm.s32 $0x0;
	s21 =	sshll.u32 s5, $0x1;
	s5 =	sadd.s32 s22, s3  }
0x15: {  	[timem:s7], [sflag:s23] =	dma.local [hbm:s5], s21  }
0x16: {  	_ =	swait.ge [sflag:s23], s21  }
0x17: {  	s4 =	ssub.s32 $0x0, s21;
	[sflag:s23] =	ssyncset.done $0x0  }
0x18: {  	[sflag:s23] =	ssyncadd.s32 s4;
	_ =	sdelay $0x1  }
0x19: {  	s24 =	simm.s32 $0x1B8B  }
0x1a: {  	_ =	swait.ge [sflag:s24], $0x1  }
0x1b: {  	[sflag:s24] =	ssyncset.done $0x0  }
0x1c: {  	s26 =	simm.s32 $0x1B8E;
	s25 =	sld [smem:$0x3FFE];
	[sflag:s24] =	ssyncadd.s32 $0xFFFFFFFF  }
0x1d: {  	s27 =	simm.s32 $execute0_lowered;
	[smem:$0x3FD2] =	sst s26  }
0x1e: {  	s5 =	sshll.u32 s27, $0x1;
	_ =	strace $0x80000049;
	[dreg:$0x1] =	wrdreg $0xFFFFFFFF  }
0x1f: {  	s28 =	simm.s32 $_size_execute0_lowered;
	s3 =	sadd.s32 s3, s5;
	[dreg:$0x0] =	wrdreg $0x0  }
0x20: {  	s5 =	sshll.u32 s28, $0x1;
	[dreg:$0x2] =	wrdreg s3  }
0x21: {  	[dreg:$0x3] =	wrdreg s5  }
0x22: {  	[dreg:$0x4] =	wrdreg $0xC0  }
0x23: {  	_ =	task [dreg:s7], $0x5FFFF  }
0x24: {  	[dreg:$0x1] =	wrdreg $0xFFFFFFFF  }
0x25: {  	[dreg:$0x0] =	wrdreg $0x60  }
0x26: {  	[dreg:$0x2] =	wrdreg s25  }
0x27: {  	[dreg:$0x3] =	wrdreg s2  }
0x28: {  	[dreg:$0x4] =	wrdreg $0x9  }
0x29: {  	_ =	task.clear_ibuf [dreg:s7], $0x5FFFF;
	_ =	strace $0x90000049  }
0x2a: {  	s29 =	simm.s32 $0x9;
	_ =	strace $0x8000004B  }
0x2b: {  	_ =	swait.ge [sflag:s29], $0x1  }
0x2c: {  	[sflag:s29] =	ssyncadd.s32 $0xFFFFFFFF  }
0x2d: {  	_ =	strace $0x9000004B  }
0x2e: {  	_ =	sfence  }
0x2f: {  	s30 =	sld [smem:$0x0];
	_ =	sdelay $0x2  }
0x30: {  	s31 =	sshll.u32 s1, $0xD;
	s1 =	sshrl.u32 s1, $0x2  }
0x31: {  	s3 =	sand.u32 $0x4000, s31;
	s1 =	sadd.s32 s1, s30  }
0x32: {  	s0 =	sor.u32 s3, s0;
	s1 =	sshll.u32 s1, $0x11  }
0x33: {  	s0 =	sor.u32 s1, s0  }
0x34: {  	s0 =	sadd.s32 $0x8F2B, s0  }
0x35: {  	[sflag:s0] =	ssyncadd.remote.s32 $0x1  }
0x36: {  	_ =	sfence.sel $0xFFFF  }
0x37: {  	[dreg:$0x0] =	wrdreg $0xFFFFFFFF;
	(pc) =	sbr.abs _section_cstart, $3  }
0x38: {  	[dreg:$0x1] =	wrdreg $0xFFFFFFFF  }
0x39: {  	_ =	task.clear_ibuf [dreg:s7], $0x2FFFF;
	_ =	strace $0x9FFFFFFF  }
0x3a: {  	(tm) =	ssettm $0x7FFFFFFF  }
0x3b: {  	_ =	shalt  }
tec
execute0_lowered:
.L_overlay_start_1:
0x0: {  	(tag) =	ssettag $0x1  }
0x1: {  	s0 =	srdreg.scid  }
0x2: {  	s1 =	sshll.u32 s0, $0x4  }
0x3: {  	s0 =	stileid.u32;
	s1 =	sand.u32 $0x10, s1  }
0x4: {  	s1 =	sor.u32 s0, s1  }
0x5: {  	s6 =	rddreg [dreg:$0x0];
	s4 =	simm.s32 $0x1;
	s2 =	sshll.u32 s1, $0x7  }
0x6: {  	s7 =	simm.s32 $0x2;
	s12 =	simm.s32 $0x0;
	s1 =	ssub.s32 $0x1000, s2  }
0x7: {  	s8 =	simm.s32 $0x8000;
	s13 =	simm.s32 $0x0;
	s3 =	sand.u32 $0xF80, s1  }
0x8: {  	s9 =	simm.s32 $0x0;
	s5 =	sshrl.u32 s1, $0xC;
	p0 =	sne.s32 s3, $0x0  }
.Ltmp0:
0x9: {  	s1 =	rddreg [dreg:$0x2];
	s4 =	simm.s32 @!p0 $0x0;
	(pc) =	sbr.rel .LBB1_1-.Ltmp0, $4  }
0xa: {  	s11 =	simm.s32 $0x0;
	s3 =	rddreg [dreg:$0x1];
	s5 =	sadd.s32 s4, s5  }
0xb: {  	_ =	strace $0x8000004A;
	s4 =	simm.s32 $0x1;
	s5 =	smul.u32 $0xC8, s5  }
0xc: {  	s6 =	sadd.s32 $0xF42C00, s6;
	s10 =	smov.u32 s2;
	[sflag:s4] =	ssyncpa.u1 $0x0  }
0xd: {  	p0 =	por $0x0, $0x0;
	[sflag:s7] =	ssyncpa.u1 $0x0;
	s7 =	sor.u32 $0x1, s5  }
.LBB1_4:
0xe: {  	s16 =	sshll.u32 s13, $0x3;
	s17 =	sand.u32 $0x78, s13  }
0xf: {  	s30 =	sand.u32 $0x7E00, s13;
	s12 =	sshll.u32 s12, $0xF;
	s16 =	sand.u32 $0xC00, s16  }
0x10: {  	[tilespmem:s15+$0x810 ss:$0x81] =	vst.msk $0xffff, v2;
	s31 =	sand.u32 $0x7, s13;
	s16 =	sor.u32 s17, s16;
	s17 =	sadd.s32 s3, s30  }
0x11: {  	[tilespmem:s15+$0x1020 ss:$0x81] =	vst.msk $0xffff, v0;
	s13 =	sshll.u32 s31, $0x12;
	s12 =	sadd.s32 s12, s17;
	s16 =	sshrl.u32 s16, $0x3  }
0x12: {  	[tilespmem:s15+$0x0 ss:$0x81] =	vst.msk $0xffff, v1;
	s13 =	sor.u32 $0x400, s13;
	s12 =	sadd.s32 s16, s12  }
0x13: {  	[hbm4b:s12+s13] =	stream.strided.scatter [tilespmem:s14], [sflag:$0x2], $0x2000, s8, s13, $0x20;
	[tilespmem:$0x8080] =	vst v63  }
.LBB1_5:
0x14: {  	s14 =	sadd.s32 $0x1, s9  }
0x15: {  	s12 =	sadd.s32 $0x1000, s10;
	s16 =	smov.u32 s10;
	p2 =	sgt.s32 s14, $0xC7  }
0x16: {  	s16 =	smov.u32 @p2 s12  }
0x17: {  	s14 =	simm.s32 @p2 $0x0;
	p2 =	sgt.s32 s16, $0xFFF  }
0x18: {  	s16 =	smov.u32 @p2 s2;
	p2 =	sne.s32 s11, s7  }
.Ltmp1:
0x19: {  	p1 =	slt.u32 s11, $0x2;
	(pc) =	sbr.rel @!p2 .LBB1_6-.Ltmp1, $4  }
0x1a: {  	s15 =	simm.s32 @!p1 $0x2  }
0x1b: {  	s13 =	smov.u32 s10;
	p0 =	por !p0, !p0;
	_ =	swait.ge @!p1 [sflag:s15], $0x2000  }
0x1c: {  	s12 =	smov.u32 s9;
	[sflag:s15] =	ssyncset.done @!p1 $0x0;
	s9 =	smov.u32 s14  }
0x1d: {  	s11 =	sadd.s32 $0x1, s11;
	[sflag:s15] =	ssyncadd.s32 @!p1 $0xFFFFE000;
	s10 =	smov.u32 s16  }
.LBB1_1:
0x1e: {  	p1 =	sge.u32 s11, s5  }
0x1f: {  	s14 =	sand.u32 @!p1 $0x1FFFFFF, s9  }
0x20: {  	s15 =	smulhi.u32 @!p1 $0x147AE15, s14;
	_ =	sdelay $0x1  }
0x21: {  	s15 =	smul.u32 @!p1 $0xC8, s15  }
0x22: {  	s16 =	sxor.u32 @!p1 $0xFFFFFFFF, s11;
	s17 =	smul.u32 @!p1 $0xC80, s10  }
0x23: {  	s31 =	sadd.s32 $0xFFFFFFFF, s11;
	s16 =	sshll.u32 @!p1 s16, $0xD;
	s14 =	ssub.s32 @!p1 s14, s15  }
0x24: {  	s15 =	sand.u32 @!p1 $0x2000, s16;
	s16 =	sadd.s32 @!p1 s6, s17;
	s14 =	sshll.u32 @!p1 s14, $0x4  }
0x25: {  	s17 =	simm.s32 @!p1 $0x6400;
	s14 =	sadd.s32 @!p1 s14, s16;
	s16 =	simm.s32 @!p1 $0x40  }
0x26: {  	[tilespmem:s15], [sflag:$0x1] =	stream.strided.gather @!p1 [hbm4b:s14+s16], $0x2000, s17, s16, $0x38;
	[tilespmem:$0x8080] =	vst v63  }
0x27: {  	p1 =	sge.u32 s31, s5  }
.Ltmp2:
0x28: {  	_ = 	snop;
	(pc) =	sbr.rel @p1 .LBB1_5-.Ltmp2, $1  }
0x29: {  	_ =	sdelay $0x3  }
0x2a: {  	s14 =	simm.s32 $0x1  }
0x2b: {  	_ =	swait.ge [sflag:s4], $0x2000;
	s14 =	simm.s32 @!p0 $0x0  }
0x2c: {  	[sflag:s4] =	ssyncset.done $0x0;
	s15 =	sshll.u32 s14, $0xD  }
0x2d: {  	[sflag:s4] =	ssyncadd.s32 $0xFFFFE000;
	s18 =	sor.u32 $0x20, s15  }
0x2e: {  	s14 =	smul.u32 $0x8100, s14;
	v3 =	vld [tilespmem:s18+$0x10]  }
0x2f: {  	s30 =	sand.u32 $0x1, s11;
	v2 =	vld [tilespmem:s18+$0xFFFFFFF0]  }
0x30: {  	s15 =	smul.u32 $0x8100, s30;
	s14 =	sshrl.u32 s14, $0x2;
	v0 =	vld [tilespmem:s18+$0x0]  }
0x31: {  	v1 =	vld [tilespmem:s18+$0xFFFFFFE0];
	s16 =	sor.u32 $0x4000, s14  }
0x32: {  	s31 =	sshrl.u32 s15, $0x2;
	s15 =	sadd.s32 $0x0, s16  }
0x33: {  	s17 =	simm.s32 $0x4;
	s18 =	sadd.s32 $0x40, s18;
	s14 =	sor.u32 $0x4000, s31;
	[tilespmem:s15+$0x1830 ss:$0x81] =	vst.msk $0xffff, v3  }
.LBB1_3:
0x34: {  	v3 =	vld [tilespmem:s18+$0x10];
	p1 =	sne.s32 s17, $0x1FC;
	[tilespmem:s15+$0x810 ss:$0x81] =	vst.msk $0xffff, v2;
	s19 =	smov.u32 s17;
	s17 =	sadd.s32 $0x4, s17  }
.Ltmp3:
0x35: {  	v2 =	vld [tilespmem:s18+$0xFFFFFFF0];
	[tilespmem:s15+$0x1020 ss:$0x81] =	vst.msk $0xffff, v0;
	(pc) =	sbr.rel @p1 .LBB1_3-.Ltmp3, $4  }
0x36: {  	v0 =	vld [tilespmem:s18+$0x0];
	[tilespmem:s15+$0x0 ss:$0x81] =	vst.msk $0xffff, v1  }
0x37: {  	s15 =	sshra.s32 s19, $0x2;
	v1 =	vld [tilespmem:s18+$0xFFFFFFE0]  }
0x38: {  	s15 =	sadd.s32 s15, s16  }
0x39: {  	s18 =	sadd.s32 $0x40, s18;
	[tilespmem:s15+$0x1830 ss:$0x81] =	vst.msk $0xffff, v3  }
.Ltmp4:
0x3a: {  	_ = 	snop;
	(pc) =	sbr.rel .LBB1_4-.Ltmp4, $1  }
0x3b: {  	_ =	sdelay $0x3  }
.LBB1_6:
0x3c: {  	_ =	sfence.sel $0x180000  }
0x3d: {  	s2 =	simm.s32 $0x1;
	[bflag:$0x0] =	sbarrier.arrive $0xFFFF  }
0x3e: {  	s31 =	simm.s32 $0x2;
	[sflag:s2] =	ssyncpa.u1 $0x1  }
0x3f: {  	[sflag:s31] =	ssyncpa.u1 $0x1  }
0x40: {  	p0 =	sne.s32 s0, $0x0;
	_ =	strace $0x9000004A  }
0x41: {  	s0 =	sadd.s32 @!p0 $0x100000, s1;
	[bflag:$0x2] =	sbarrier.arrive $0xFFFF  }
0x42: {  	[sflag:s0] =	ssyncadd.tile.s32 @!p0 $0x1;
	_ =	shalt  }
.Lfunc_end1:
_tile_overlayer_lowered:
.L_overlay_start_2:
0x43: {  	(tag) =	ssettag $0x2  }
0x44: {  	s0 =	rddreg [dreg:$0x0];
	s2 =	stileid.u32  }
0x45: {  	s1 =	rddreg [dreg:$0x1];
	p0 =	sne.s32 s2, $0x0  }
0x46: {  	s3 =	rddreg [dreg:$0x2];
	[bflag:$0x3] =	sbarrier.arrive $0xFFFF;
	s2 =	simm.s32 @!p0 $0x1C01  }
0x47: {  	[timem:s3], [sflag:s2] =	dma.local @!p0 [hbm:s0], s1  }
0x48: {  	s0 =	simm.s32 @!p0 $0x1  }
0x49: {  	_ =	swait.ge @!p0 [sflag:s0], s1  }
0x4a: {  	s1 =	ssub.s32 @!p0 $0x0, s1;
	[sflag:s0] =	ssyncset.done @!p0 $0x0  }
0x4b: {  	[sflag:s0] =	ssyncadd.s32 @!p0 s1  }
0x4c: {  	[bflag:$0x3] =	sbarrier.arrive $0xFFFF  }
0x4d: {  	_ =	shalt  }

</sc_bundles>
